<compile_context>
chip_gen: v7x
topology: tpu7x:2x2x1
jax: 0.10.2.dev20260603
libtpu: 0.0.44.dev20260713+nightly
codegen_flags: <defaults>
</compile_context>

<pallas_src>
import jax
import jax.numpy as jnp
from jax import lax
from jax.experimental import pallas as pl
from jax.experimental.pallas import tpu as pltpu
from jax.experimental.pallas import tpu_sc as plsc

_BATCH = 128
_DIM = 4096
_TEMP = 2.0
_BK = 512
_NBLK = _DIM // _BK
_NW = 32
_BPW = _BATCH // _NW


def _pass1(x_ref, b_ref, g_ref, w_ref, gx_ref, idx_ref, lpf_ref, s_ref):
    i = pl.program_id(0)

    @pl.when(i == 0)
    def _init():
        gx_ref[...] = jnp.broadcast_to(b_ref[...], (_BATCH, _DIM))

    w = w_ref[...]
    xi = x_ref[:, pl.ds(i * _BK, _BK)]
    gx_ref[...] += jnp.dot(xi, w, preferred_element_type=jnp.float32)
    colpart = jax.lax.dot_general(
        x_ref[...], w, (((1,), (1,)), ((), ())),
        preferred_element_type=jnp.float32)
    gx_ref[:, pl.ds(i * _BK, _BK)] += colpart

    @pl.when(i == _NBLK - 1)
    def _sample():
        x = x_ref[...]
        gx = gx_ref[...]
        logits = gx * ((1.0 - 2.0 * x) / _TEMP)
        z = logits + g_ref[...]
        m = jnp.max(z, axis=1, keepdims=True)
        iota = jax.lax.broadcasted_iota(jnp.int32, (_BATCH, _DIM), 1)
        idx = jnp.min(jnp.where(z >= m, iota, _DIM), axis=1, keepdims=True)
        idx_ref[...] = idx
        c = (iota == idx).astype(jnp.float32)
        m2 = jnp.max(logits, axis=1, keepdims=True)
        lse = m2 + jnp.log(
            jnp.sum(jnp.exp(logits - m2), axis=1, keepdims=True))
        lpf_ref[...] = jnp.sum(c * logits, axis=1, keepdims=True) - lse
        s_ref[...] = 1.0 - 2.0 * jnp.sum(c * x, axis=1, keepdims=True)


def _sc_gather(w2d, idx2d, rrow, idx_v, rows_v, sem_row):
    wid = lax.axis_index("s") * 2 + lax.axis_index("c")
    base = wid * _BPW

    pltpu.sync_copy(idx2d.at[wid], idx_v)
    row_cp = pltpu.make_async_copy(w2d.at[idx_v], rows_v, sem_row)
    row_cp.start()
    row_cp.wait()
    pltpu.sync_copy(rows_v, rrow.at[pl.ds(base, _BPW)])


def _epilogue(x_ref, gx_ref, u_ref, idx_ref, lpf_ref, s_ref, rr_ref, out_ref):
    x = x_ref[...]
    gx = gx_ref[...]
    s = s_ref[...]
    iota = jax.lax.broadcasted_iota(jnp.int32, (_BATCH, _DIM), 1)
    c = (iota == idx_ref[...]).astype(jnp.float32)
    rrow = rr_ref[...]
    diag = jnp.sum(c * rrow, axis=1, keepdims=True)
    r = rrow + c * diag
    x_delta = x + s * c
    rev_logits = (gx + s * r) * ((1.0 - 2.0 * x_delta) / _TEMP)
    m2 = jnp.max(rev_logits, axis=1, keepdims=True)
    lse2 = m2 + jnp.log(
        jnp.sum(jnp.exp(rev_logits - m2), axis=1, keepdims=True))
    lp_rev = jnp.sum(c * rev_logits, axis=1, keepdims=True) - lse2
    gx_at = jnp.sum(c * gx, axis=1, keepdims=True)
    la = s * gx_at + diag + lp_rev - lpf_ref[...]
    a = (jnp.exp(la) > u_ref[...]).astype(jnp.float32)
    out_ref[...] = x + (a * s) * c


def kernel(x, W, b):
    key = jax.random.key(42)
    k1, k2 = jax.random.split(key)
    g = jax.random.gumbel(k1, (_BATCH, _DIM), jnp.float32)
    u = jax.random.uniform(k2, (_BATCH,), jnp.float32).reshape(_BATCH, 1)
    b2 = b.reshape(1, _DIM)

    full = pl.BlockSpec((_BATCH, _DIM), lambda i: (0, 0))
    col1 = pl.BlockSpec((_BATCH, 1), lambda i: (0, 0))
    wspec = pl.BlockSpec((_BK, _DIM), lambda i: (i, 0))
    params = pltpu.CompilerParams(dimension_semantics=("arbitrary",))

    gx, idxc, lpf, s = pl.pallas_call(
        _pass1,
        grid=(_NBLK,),
        in_specs=[full, pl.BlockSpec((1, _DIM), lambda i: (0, 0)), full,
                  wspec],
        out_specs=[full, col1, col1, col1],
        out_shape=[
            jax.ShapeDtypeStruct((_BATCH, _DIM), jnp.float32),
            jax.ShapeDtypeStruct((_BATCH, 1), jnp.int32),
            jax.ShapeDtypeStruct((_BATCH, 1), jnp.float32),
            jax.ShapeDtypeStruct((_BATCH, 1), jnp.float32),
        ],
        compiler_params=params,
    )(x, b2, g, W)

    idx2d = idxc.reshape(_NW, _BPW)

    sc = pl.kernel(
        _sc_gather,
        out_type=jax.ShapeDtypeStruct((_BATCH, _DIM), jnp.float32),
        mesh=plsc.VectorSubcoreMesh(core_axis_name="c", subcore_axis_name="s"),
        scratch_types=[
            pltpu.VMEM((_BPW,), jnp.int32),
            pltpu.VMEM((_BPW, _DIM), jnp.float32),
            pltpu.SemaphoreType.DMA,
        ],
    )
    rrow = sc(W, idx2d)

    out = pl.pallas_call(
        _epilogue,
        grid=(1,),
        in_specs=[full, full, col1, col1, col1, col1, full],
        out_specs=full,
        out_shape=jax.ShapeDtypeStruct((_BATCH, _DIM), jnp.float32),
        compiler_params=pltpu.CompilerParams(
            dimension_semantics=("arbitrary",)),
    )(x, gx, u, idxc, lpf, s, rrow)
    return out

# --- scband reference (transcript-rebuilt; emitter-appended) ---
"""Pipeline reference for scband-binary-gwgsampler-46926812676968 (READ-ONLY COPY).

The authoritative reference and input builder live on the scoring server;
editing this copy changes nothing except your own understanding.
"""

import jax, jax.numpy as jnp
import numpy as np

BATCH = 128
DIM = 4096
TEMP = 2.0


def setup_inputs(seed: int = 0) -> dict:
    key = jax.random.key(seed)
    kx, kw, kb = jax.random.split(key, 3)
    # binary state in {0,1}
    x = jax.random.randint(kx, (BATCH, DIM), 0, 2).astype(jnp.float32)
    # quadratic (Ising-like) energy model parameters: f(x) = x^T W x + b^T x
    W = jax.random.normal(kw, (DIM, DIM), dtype=jnp.float32) * 0.01
    b = jax.random.normal(kb, (DIM,), dtype=jnp.float32) * 0.01
    return {"x": x, "W": W, "b": b}


def _model(z, W, b):
    # f(z) = z^T W z + b^T z  (per-batch scalar log-prob / negative energy)
    return jnp.einsum('bi,ij,bj->b', z, W, z) + z @ b


def _diff_fn(z, W, b):
    # approx_difference_function: grad_z f(z) * -(2z - 1), divided by temp.
    # grad of z^T W z + b^T z is (W + W^T) z + b (closed form, matches autograd).
    gx = z @ (W + W.T) + b
    return (gx * -(2.0 * z - 1.0)) / TEMP


def _onehot_cat_logprob(logits, one_hot):
    return jnp.sum(one_hot * jax.nn.log_softmax(logits, axis=-1), axis=-1)


def reference(x, W, b):
    x_cur = x
    logp = _model(x_cur, W, b)
    logits = _diff_fn(x_cur, W, b)

    key = jax.random.key(42)
    k1, k2 = jax.random.split(key)

    # cd_forward = OneHotCategorical(logits); changes = cd_forward.sample()
    idx = jax.random.categorical(k1, logits, axis=-1)
    changes = jax.nn.one_hot(idx, x.shape[1], dtype=x.dtype)
    lp_forward = _onehot_cat_logprob(logits, changes)

    # flip the selected bit
    x_delta = (1.0 - x_cur) * changes + x_cur * (1.0 - changes)

    logp_rev = _model(x_delta, W, b)
    reverse_logits = _diff_fn(x_delta, W, b)
    lp_reverse = _onehot_cat_logprob(reverse_logits, changes)

    m_term = logp_rev - logp
    la = m_term + lp_reverse - lp_forward
    u = jax.random.uniform(k2, la.shape, dtype=la.dtype)
    a = (jnp.exp(la) > u).astype(x.dtype)

    x_acc = x_delta * a[:, None] + x_cur * (1.0 - a[:, None])
    return x_acc

if __name__ == "__main__":
    import jax
    _d = setup_inputs()
    print(jax.jit(kernel)(*tuple(_d.values())))

</pallas_src>

<mosaic_0001>
#map = affine_map<(d0, d1) -> (0, 0)>
module attributes {stable_mosaic.version = 14 : i64} {
  func.func @_sc_gather(%arg0: i32, %arg1: i32, %arg2: memref<4096x4096xf32, #tpu.memory_space<hbm>>, %arg3: memref<32x4xi32, #tpu.memory_space<hbm>>, %arg4: memref<128x4096xf32, #tpu.memory_space<hbm>>, %arg5: memref<4xi32, #tpu.memory_space<vmem>>, %arg6: memref<4x4096xf32, #tpu.memory_space<vmem>>, %arg7: memref<!tpu.dma_semaphore, #tpu.memory_space<semaphore_mem>>) attributes {dimension_semantics = [#tpu.dimension_semantics<core_parallel>, #tpu.dimension_semantics<subcore_parallel>], iteration_bounds = array<i64: 2, 16>, scalar_prefetch = 0 : i64, scratch_operands = 3 : i64, tpu.core_type = #tpu.core_type<sc_vector_subcore>, window_params = [{transform_indices = #map}, {transform_indices = #map}, {transform_indices = #map}]} {
    %mul3A = arith.constant 2 : i32
    %mul3A_0 = arith.muli %arg1, %mul3A : i32
    %add3A = arith.addi %mul3A_0, %arg0 : i32
    %mul3A_1 = arith.constant 4 : i32
    %mul3A_2 = arith.muli %add3A, %mul3A_1 : i32
    "tpu.region"() ({
      %run_scoped3A = tpu.sem_alloc : memref<!tpu.dma_semaphore, #tpu.memory_space<semaphore_mem>>
      %dma_start3A_7 = arith.constant 0 : i32
      %dma_start3A_8 = tpu.memref_slice %arg3[%add3A, %dma_start3A_7] : memref<32x4xi32, #tpu.memory_space<hbm>> -> memref<1x4xi32, #tpu.memory_space<hbm>>
      %dma_start3A_9 = tpu.memref_squeeze %dma_start3A_8 : memref<1x4xi32, #tpu.memory_space<hbm>> -> memref<4xi32, #tpu.memory_space<hbm>>
      %dma_start3A_10 = arith.constant 0 : i32
      %dma_start3A_11 = tpu.memref_slice %arg3[%add3A, %dma_start3A_10] : memref<32x4xi32, #tpu.memory_space<hbm>> -> memref<1x4xi32, #tpu.memory_space<hbm>>
      %dma_start3A_12 = tpu.memref_squeeze %dma_start3A_11 : memref<1x4xi32, #tpu.memory_space<hbm>> -> memref<4xi32, #tpu.memory_space<hbm>>
      tpu.enqueue_dma source(%dma_start3A_12 : memref<4xi32, #tpu.memory_space<hbm>>) target(%arg5 : memref<4xi32, #tpu.memory_space<vmem>>) target_semaphore(%run_scoped3A : memref<!tpu.dma_semaphore, #tpu.memory_space<semaphore_mem>>)
      %dma_wait3A_13 = arith.constant 0 : i32
      %dma_wait3A_14 = tpu.memref_slice %arg3[%add3A, %dma_wait3A_13] : memref<32x4xi32, #tpu.memory_space<hbm>> -> memref<1x4xi32, #tpu.memory_space<hbm>>
      %dma_wait3A_15 = tpu.memref_squeeze %dma_wait3A_14 : memref<1x4xi32, #tpu.memory_space<hbm>> -> memref<4xi32, #tpu.memory_space<hbm>>
      %dma_wait3A_16 = arith.constant 0 : i32
      %dma_wait3A_17 = tpu.memref_slice %arg3[%add3A, %dma_wait3A_16] : memref<32x4xi32, #tpu.memory_space<hbm>> -> memref<1x4xi32, #tpu.memory_space<hbm>>
      %dma_wait3A_18 = tpu.memref_squeeze %dma_wait3A_17 : memref<1x4xi32, #tpu.memory_space<hbm>> -> memref<4xi32, #tpu.memory_space<hbm>>
      tpu.wait_dma2 semaphore(%run_scoped3A : memref<!tpu.dma_semaphore, #tpu.memory_space<semaphore_mem>>) src(%dma_wait3A_18 : memref<4xi32, #tpu.memory_space<hbm>>) dst(%arg5 : memref<4xi32, #tpu.memory_space<vmem>>)
      tpu.yield
    }) : () -> ()
    %dma_start3A = arith.constant 0 : i32
    %dma_start3A_3 = arith.constant 0 : i32
    %dma_start3A_4 = tpu.memref_slice %arg2[%dma_start3A, %dma_start3A_3] : memref<4096x4096xf32, #tpu.memory_space<hbm>> -> memref<4096x4096xf32, #tpu.memory_space<hbm>>
    tpu.enqueue_indirect_dma source(%dma_start3A_4 : memref<4096x4096xf32, #tpu.memory_space<hbm>>) target(%arg6 : memref<4x4096xf32, #tpu.memory_space<vmem>>) offsets(%arg5 : memref<4xi32, #tpu.memory_space<vmem>>) semaphore(%arg7 : memref<!tpu.dma_semaphore, #tpu.memory_space<semaphore_mem>>)
    %dma_wait3A = arith.constant 0 : i32
    %dma_wait3A_5 = arith.constant 0 : i32
    %dma_wait3A_6 = tpu.memref_slice %arg2[%dma_wait3A, %dma_wait3A_5] : memref<4096x4096xf32, #tpu.memory_space<hbm>> -> memref<4096x4096xf32, #tpu.memory_space<hbm>>
    tpu.wait_indirect_dma semaphore(%arg7 : memref<!tpu.dma_semaphore, #tpu.memory_space<semaphore_mem>>) src(%dma_wait3A_6 : memref<4096x4096xf32, #tpu.memory_space<hbm>>) dst(%arg6 : memref<4x4096xf32, #tpu.memory_space<vmem>>)
    "tpu.region"() ({
      %run_scoped3A = tpu.sem_alloc : memref<!tpu.dma_semaphore, #tpu.memory_space<semaphore_mem>>
      %dma_start3A_7 = arith.constant 0 : i32
      %dma_start3A_8 = tpu.memref_slice %arg4[%mul3A_2, %dma_start3A_7] : memref<128x4096xf32, #tpu.memory_space<hbm>> -> memref<4x4096xf32, #tpu.memory_space<hbm>>
      %dma_start3A_9 = arith.constant 0 : i32
      %dma_start3A_10 = tpu.memref_slice %arg4[%mul3A_2, %dma_start3A_9] : memref<128x4096xf32, #tpu.memory_space<hbm>> -> memref<4x4096xf32, #tpu.memory_space<hbm>>
      tpu.enqueue_dma source(%arg6 : memref<4x4096xf32, #tpu.memory_space<vmem>>) target(%dma_start3A_10 : memref<4x4096xf32, #tpu.memory_space<hbm>>) target_semaphore(%run_scoped3A : memref<!tpu.dma_semaphore, #tpu.memory_space<semaphore_mem>>)
      %dma_wait3A_11 = arith.constant 0 : i32
      %dma_wait3A_12 = tpu.memref_slice %arg4[%mul3A_2, %dma_wait3A_11] : memref<128x4096xf32, #tpu.memory_space<hbm>> -> memref<4x4096xf32, #tpu.memory_space<hbm>>
      %dma_wait3A_13 = arith.constant 0 : i32
      %dma_wait3A_14 = tpu.memref_slice %arg4[%mul3A_2, %dma_wait3A_13] : memref<128x4096xf32, #tpu.memory_space<hbm>> -> memref<4x4096xf32, #tpu.memory_space<hbm>>
      tpu.wait_dma2 semaphore(%run_scoped3A : memref<!tpu.dma_semaphore, #tpu.memory_space<semaphore_mem>>) src(%arg6 : memref<4x4096xf32, #tpu.memory_space<vmem>>) dst(%dma_wait3A_14 : memref<4x4096xf32, #tpu.memory_space<hbm>>)
      tpu.yield
    }) : () -> ()
    return
  }
}

module attributes {stable_mosaic.version = 14 : i64} {
  func.func @_pass1(%arg0: i32, %arg1: memref<128x4096xf32, #tpu.memory_space<vmem>>, %arg2: memref<1x4096xf32, #tpu.memory_space<vmem>>, %arg3: memref<128x4096xf32, #tpu.memory_space<vmem>>, %arg4: memref<512x4096xf32, #tpu.memory_space<vmem>>, %arg5: memref<128x4096xf32, #tpu.memory_space<vmem>>, %arg6: memref<128x1xi32, #tpu.memory_space<vmem>>, %arg7: memref<128x1xf32, #tpu.memory_space<vmem>>, %arg8: memref<128x1xf32, #tpu.memory_space<vmem>>) attributes {dimension_semantics = [#tpu.dimension_semantics<arbitrary>], iteration_bounds = array<i64: 8>, scalar_prefetch = 0 : i64, scratch_operands = 0 : i64, tpu.core_type = #tpu.core_type<tc>, window_params = [{pipeline_mode = #tpu.pipeline_mode<synchronous>, transform_indices = @transform_0, window_bounds = array<i64: 128, 4096>}, {pipeline_mode = #tpu.pipeline_mode<synchronous>, transform_indices = @transform_1, window_bounds = array<i64: 1, 4096>}, {pipeline_mode = #tpu.pipeline_mode<synchronous>, transform_indices = @transform_2, window_bounds = array<i64: 128, 4096>}, {transform_indices = @transform_3, window_bounds = array<i64: 512, 4096>}, {pipeline_mode = #tpu.pipeline_mode<synchronous>, transform_indices = @transform_4, window_bounds = array<i64: 128, 4096>}, {pipeline_mode = #tpu.pipeline_mode<synchronous>, transform_indices = @transform_5, window_bounds = array<i64: 128, 1>}, {pipeline_mode = #tpu.pipeline_mode<synchronous>, transform_indices = @transform_6, window_bounds = array<i64: 128, 1>}, {pipeline_mode = #tpu.pipeline_mode<synchronous>, transform_indices = @transform_7, window_bounds = array<i64: 128, 1>}]} {
    %eq3A = arith.constant 0 : i32
    %eq3A_0 = arith.cmpi eq, %arg0, %eq3A : i32
    %convert_element_type3A = arith.extui %eq3A_0 : i1 to i32
    %cond3A = arith.constant 0 : i32
    %cond3A_1 = arith.cmpi ne, %convert_element_type3A, %cond3A : i32
    scf.if %cond3A_1 {
      %get3A_33 = arith.constant 0 : index
      %get3A_34 = arith.constant 0 : index
      %get3A_35 = vector.load %arg2[%get3A_33, %get3A_34] : memref<1x4096xf32, #tpu.memory_space<vmem>>, vector<1x4096xf32>
      %broadcast_in_dim3A = vector.shape_cast %get3A_35 : vector<1x4096xf32> to vector<1x4096xf32>
      %broadcast_in_dim3A_36 = vector.broadcast %broadcast_in_dim3A : vector<1x4096xf32> to vector<128x4096xf32>
      %swap3A_37 = arith.constant 0 : index
      %swap3A_38 = arith.constant 0 : index
      %swap3A_39 = vector.load %arg5[%swap3A_37, %swap3A_38] : memref<128x4096xf32, #tpu.memory_space<vmem>>, vector<128x4096xf32>
      tpu.vector_store %arg5[%swap3A_37, %swap3A_38], %broadcast_in_dim3A_36 {strides = array<i32>} : memref<128x4096xf32, #tpu.memory_space<vmem>>, vector<128x4096xf32>,
    } else {
    }
    %get3A = arith.constant 0 : index
    %get3A_2 = arith.constant 0 : index
    %get3A_3 = vector.load %arg4[%get3A, %get3A_2] : memref<512x4096xf32, #tpu.memory_space<vmem>>, vector<512x4096xf32>
    %mul3A = arith.constant 512 : i32
    %mul3A_4 = arith.muli %arg0, %mul3A : i32
    %get3A_5 = arith.constant 0 : index
    %get3A_6 = arith.index_cast %mul3A_4 : i32 to index
    %get3A_7 = vector.load %arg1[%get3A_5, %get3A_6] : memref<128x4096xf32, #tpu.memory_space<vmem>>, vector<128x512xf32>
    %get3A_8 = arith.constant 0 : index
    %get3A_9 = arith.constant 0 : index
    %get3A_10 = vector.load %arg5[%get3A_8, %get3A_9] : memref<128x4096xf32, #tpu.memory_space<vmem>>, vector<128x4096xf32>
    %dot_general3A = arith.constant dense<0.000000e+00> : vector<128x4096xf32>
    %dot_general3A_11 = tpu.matmul %get3A_7, %get3A_3, %dot_general3A {dimension_numbers = #tpu.dot_dimension_numbers<[1], [0], [0], [1], [0, 0, 1, 1], [], []>, transpose_lhs_hint = false} : vector<128x512xf32>, vector<512x4096xf32>, vector<128x4096xf32> -> vector<128x4096xf32>
    %add3A = arith.addf %get3A_10, %dot_general3A_11 : vector<128x4096xf32>
    %swap3A = arith.constant 0 : index
    %swap3A_12 = arith.constant 0 : index
    %swap3A_13 = vector.load %arg5[%swap3A, %swap3A_12] : memref<128x4096xf32, #tpu.memory_space<vmem>>, vector<128x4096xf32>
    tpu.vector_store %arg5[%swap3A, %swap3A_12], %add3A {strides = array<i32>} : memref<128x4096xf32, #tpu.memory_space<vmem>>, vector<128x4096xf32>,
    %get3A_14 = arith.constant 0 : index
    %get3A_15 = arith.constant 0 : index
    %get3A_16 = vector.load %arg1[%get3A_14, %get3A_15] : memref<128x4096xf32, #tpu.memory_space<vmem>>, vector<128x4096xf32>
    %dot_general3A_17 = arith.constant dense<0.000000e+00> : vector<128x512xf32>
    %dot_general3A_18 = tpu.matmul %get3A_16, %get3A_3, %dot_general3A_17 {dimension_numbers = #tpu.dot_dimension_numbers<[1], [1], [0], [0], [0, 0, 1, 0], [], []>, transpose_lhs_hint = false} : vector<128x4096xf32>, vector<512x4096xf32>, vector<128x512xf32> -> vector<128x512xf32>
    %mul3A_19 = arith.constant 512 : i32
    %mul3A_20 = arith.muli %arg0, %mul3A_19 : i32
    %get3A_21 = arith.constant 0 : index
    %get3A_22 = arith.index_cast %mul3A_20 : i32 to index
    %get3A_23 = vector.load %arg5[%get3A_21, %get3A_22] : memref<128x4096xf32, #tpu.memory_space<vmem>>, vector<128x512xf32>
    %add3A_24 = arith.addf %get3A_23, %dot_general3A_18 : vector<128x512xf32>
    %swap3A_25 = arith.constant 0 : index
    %swap3A_26 = arith.index_cast %mul3A_20 : i32 to index
    %swap3A_27 = vector.load %arg5[%swap3A_25, %swap3A_26] : memref<128x4096xf32, #tpu.memory_space<vmem>>, vector<128x512xf32>
    tpu.vector_store %arg5[%swap3A_25, %swap3A_26], %add3A_24 {strides = array<i32>} : memref<128x4096xf32, #tpu.memory_space<vmem>>, vector<128x512xf32>,
    %eq3A_28 = arith.constant 7 : i32
    %eq3A_29 = arith.cmpi eq, %arg0, %eq3A_28 : i32
    %convert_element_type3A_30 = arith.extui %eq3A_29 : i1 to i32
    %cond3A_31 = arith.constant 0 : i32
    %cond3A_32 = arith.cmpi ne, %convert_element_type3A_30, %cond3A_31 : i32
    scf.if %cond3A_32 {
      %get3A_33 = arith.constant 0 : index
      %get3A_34 = arith.constant 0 : index
      %get3A_35 = vector.load %arg1[%get3A_33, %get3A_34] : memref<128x4096xf32, #tpu.memory_space<vmem>>, vector<128x4096xf32>
      %get3A_36 = arith.constant 0 : index
      %get3A_37 = arith.constant 0 : index
      %get3A_38 = vector.load %arg5[%get3A_36, %get3A_37] : memref<128x4096xf32, #tpu.memory_space<vmem>>, vector<128x4096xf32>
      %mul3A_39 = arith.constant 2.000000e+00 : f32
      %mul3A_40 = vector.broadcast %mul3A_39 : f32 to vector<128x4096xf32>
      %mul3A_41 = arith.mulf %mul3A_40, %get3A_35 : vector<128x4096xf32>
      %sub3A = arith.constant 1.000000e+00 : f32
      %sub3A_42 = vector.broadcast %sub3A : f32 to vector<128x4096xf32>
      %sub3A_43 = arith.subf %sub3A_42, %mul3A_41 : vector<128x4096xf32>
      %div3A = arith.constant 2.000000e+00 : f32
      %div3A_44 = vector.broadcast %div3A : f32 to vector<128x4096xf32>
      %div3A_45 = arith.divf %sub3A_43, %div3A_44 : vector<128x4096xf32>
      %mul3A_46 = arith.mulf %get3A_38, %div3A_45 : vector<128x4096xf32>
      %get3A_47 = arith.constant 0 : index
      %get3A_48 = arith.constant 0 : index
      %get3A_49 = vector.load %arg3[%get3A_47, %get3A_48] : memref<128x4096xf32, #tpu.memory_space<vmem>>, vector<128x4096xf32>
      %add3A_50 = arith.addf %mul3A_46, %get3A_49 : vector<128x4096xf32>
      %reduce_max3A = arith.constant dense<0xFF800000> : vector<128xf32>
      %reduce_max3A_51 = vector.multi_reduction <maximumf>, %add3A_50, %reduce_max3A [1] : vector<128x4096xf32> to vector<128xf32>
      %broadcast_in_dim3A = vector.shape_cast %reduce_max3A_51 : vector<128xf32> to vector<128x1xf32>
      %iota3A = tpu.iota {dimensions = array<i32: 1>} : vector<128x4096xi32>
      %ge3A = vector.broadcast %broadcast_in_dim3A : vector<128x1xf32> to vector<128x4096xf32>
      %ge3A_52 = arith.cmpf oge, %add3A_50, %ge3A : vector<128x4096xf32>
      %jit3A = arith.constant 4096 : i32
      %broadcast_in_dim3A_53 = vector.broadcast %jit3A : i32 to vector<128x4096xi32>
      %select_n3A = arith.select %ge3A_52, %iota3A, %broadcast_in_dim3A_53 : vector<128x4096xi1>, vector<128x4096xi32>
      %reduce_min3A = arith.constant dense<2147483647> : vector<128xi32>
      %reduce_min3A_54 = vector.multi_reduction <minsi>, %select_n3A, %reduce_min3A [1] : vector<128x4096xi32> to vector<128xi32>
      %broadcast_in_dim3A_55 = vector.shape_cast %reduce_min3A_54 : vector<128xi32> to vector<128x1xi32>
      %swap3A_56 = arith.constant 0 : index
      %swap3A_57 = arith.constant 0 : index
      %swap3A_58 = vector.load %arg6[%swap3A_56, %swap3A_57] : memref<128x1xi32, #tpu.memory_space<vmem>>, vector<128x1xi32>
      tpu.vector_store %arg6[%swap3A_56, %swap3A_57], %broadcast_in_dim3A_55 {strides = array<i32>} : memref<128x1xi32, #tpu.memory_space<vmem>>, vector<128x1xi32>,
      %eq3A_59 = vector.broadcast %broadcast_in_dim3A_55 : vector<128x1xi32> to vector<128x4096xi32>
      %eq3A_60 = arith.cmpi eq, %iota3A, %eq3A_59 : vector<128x4096xi32>
      %convert_element_type3A_61 = arith.extui %eq3A_60 : vector<128x4096xi1> to vector<128x4096xi32>
      %convert_element_type3A_62 = arith.sitofp %convert_element_type3A_61 : vector<128x4096xi32> to vector<128x4096xf32>
      %reduce_max3A_63 = arith.constant dense<0xFF800000> : vector<128xf32>
      %reduce_max3A_64 = vector.multi_reduction <maximumf>, %mul3A_46, %reduce_max3A_63 [1] : vector<128x4096xf32> to vector<128xf32>
      %broadcast_in_dim3A_65 = vector.shape_cast %reduce_max3A_64 : vector<128xf32> to vector<128x1xf32>
      %sub3A_66 = vector.broadcast %broadcast_in_dim3A_65 : vector<128x1xf32> to vector<128x4096xf32>
      %sub3A_67 = arith.subf %mul3A_46, %sub3A_66 : vector<128x4096xf32>
      %exp3A = math.exp %sub3A_67 : vector<128x4096xf32>
      %reduce_sum3A = arith.constant dense<0.000000e+00> : vector<128xf32>
      %reduce_sum3A_68 = vector.multi_reduction <add>, %exp3A, %reduce_sum3A [1] : vector<128x4096xf32> to vector<128xf32>
      %broadcast_in_dim3A_69 = vector.shape_cast %reduce_sum3A_68 : vector<128xf32> to vector<128x1xf32>
      %log3A = math.log %broadcast_in_dim3A_69 : vector<128x1xf32>
      %add3A_70 = arith.addf %broadcast_in_dim3A_65, %log3A : vector<128x1xf32>
      %mul3A_71 = arith.mulf %convert_element_type3A_62, %mul3A_46 : vector<128x4096xf32>
      %reduce_sum3A_72 = arith.constant dense<0.000000e+00> : vector<128xf32>
      %reduce_sum3A_73 = vector.multi_reduction <add>, %mul3A_71, %reduce_sum3A_72 [1] : vector<128x4096xf32> to vector<128xf32>
      %broadcast_in_dim3A_74 = vector.shape_cast %reduce_sum3A_73 : vector<128xf32> to vector<128x1xf32>
      %sub3A_75 = arith.subf %broadcast_in_dim3A_74, %add3A_70 : vector<128x1xf32>
      %swap3A_76 = arith.constant 0 : index
      %swap3A_77 = arith.constant 0 : index
      %swap3A_78 = vector.load %arg7[%swap3A_76, %swap3A_77] : memref<128x1xf32, #tpu.memory_space<vmem>>, vector<128x1xf32>
      tpu.vector_store %arg7[%swap3A_76, %swap3A_77], %sub3A_75 {strides = array<i32>} : memref<128x1xf32, #tpu.memory_space<vmem>>, vector<128x1xf32>,
      %mul3A_79 = arith.mulf %convert_element_type3A_62, %get3A_35 : vector<128x4096xf32>
      %reduce_sum3A_80 = arith.constant dense<0.000000e+00> : vector<128xf32>
      %reduce_sum3A_81 = vector.multi_reduction <add>, %mul3A_79, %reduce_sum3A_80 [1] : vector<128x4096xf32> to vector<128xf32>
      %broadcast_in_dim3A_82 = vector.shape_cast %reduce_sum3A_81 : vector<128xf32> to vector<128x1xf32>
      %mul3A_83 = arith.constant 2.000000e+00 : f32
      %mul3A_84 = vector.broadcast %mul3A_83 : f32 to vector<128x1xf32>
      %mul3A_85 = arith.mulf %mul3A_84, %broadcast_in_dim3A_82 : vector<128x1xf32>
      %sub3A_86 = arith.constant 1.000000e+00 : f32
      %sub3A_87 = vector.broadcast %sub3A_86 : f32 to vector<128x1xf32>
      %sub3A_88 = arith.subf %sub3A_87, %mul3A_85 : vector<128x1xf32>
      %swap3A_89 = arith.constant 0 : index
      %swap3A_90 = arith.constant 0 : index
      %swap3A_91 = vector.load %arg8[%swap3A_89, %swap3A_90] : memref<128x1xf32, #tpu.memory_space<vmem>>, vector<128x1xf32>
      tpu.vector_store %arg8[%swap3A_89, %swap3A_90], %sub3A_88 {strides = array<i32>} : memref<128x1xf32, #tpu.memory_space<vmem>>, vector<128x1xf32>,
    } else {
    }
    return
  }
  func.func @transform_0(%arg0: i32) -> (i32, i32) {
    %c0_i32 = arith.constant 0 : i32
    %c0_i32_0 = arith.constant 0 : i32
    %c0_i32_1 = arith.constant 0 : i32
    return %c0_i32, %c0_i32_0 : i32, i32
  }
  func.func @transform_1(%arg0: i32) -> (i32, i32) {
    %c0_i32 = arith.constant 0 : i32
    %c0_i32_0 = arith.constant 0 : i32
    %c0_i32_1 = arith.constant 0 : i32
    return %c0_i32, %c0_i32_0 : i32, i32
  }
  func.func @transform_2(%arg0: i32) -> (i32, i32) {
    %c0_i32 = arith.constant 0 : i32
    %c0_i32_0 = arith.constant 0 : i32
    %c0_i32_1 = arith.constant 0 : i32
    return %c0_i32, %c0_i32_0 : i32, i32
  }
  func.func @transform_3(%arg0: i32) -> (i32, i32) {
    %c0_i32 = arith.constant 0 : i32
    %c0_i32_0 = arith.constant 0 : i32
    return %arg0, %c0_i32 : i32, i32
  }
  func.func @transform_4(%arg0: i32) -> (i32, i32) {
    %c0_i32 = arith.constant 0 : i32
    %c0_i32_0 = arith.constant 0 : i32
    %c0_i32_1 = arith.constant 0 : i32
    return %c0_i32, %c0_i32_0 : i32, i32
  }
  func.func @transform_5(%arg0: i32) -> (i32, i32) {
    %c0_i32 = arith.constant 0 : i32
    %c0_i32_0 = arith.constant 0 : i32
    %c0_i32_1 = arith.constant 0 : i32
    return %c0_i32, %c0_i32_0 : i32, i32
  }
  func.func @transform_6(%arg0: i32) -> (i32, i32) {
    %c0_i32 = arith.constant 0 : i32
    %c0_i32_0 = arith.constant 0 : i32
    %c0_i32_1 = arith.constant 0 : i32
    return %c0_i32, %c0_i32_0 : i32, i32
  }
  func.func @transform_7(%arg0: i32) -> (i32, i32) {
    %c0_i32 = arith.constant 0 : i32
    %c0_i32_0 = arith.constant 0 : i32
    %c0_i32_1 = arith.constant 0 : i32
    return %c0_i32, %c0_i32_0 : i32, i32
  }
}

module attributes {stable_mosaic.version = 14 : i64} {
  func.func @_epilogue(%arg0: i32, %arg1: memref<128x4096xf32, #tpu.memory_space<vmem>>, %arg2: memref<128x4096xf32, #tpu.memory_space<vmem>>, %arg3: memref<128x1xf32, #tpu.memory_space<vmem>>, %arg4: memref<128x1xi32, #tpu.memory_space<vmem>>, %arg5: memref<128x1xf32, #tpu.memory_space<vmem>>, %arg6: memref<128x1xf32, #tpu.memory_space<vmem>>, %arg7: memref<128x4096xf32, #tpu.memory_space<vmem>>, %arg8: memref<128x4096xf32, #tpu.memory_space<vmem>>) attributes {dimension_semantics = [#tpu.dimension_semantics<arbitrary>], iteration_bounds = array<i64: 1>, scalar_prefetch = 0 : i64, scratch_operands = 0 : i64, tpu.core_type = #tpu.core_type<tc>, window_params = [{pipeline_mode = #tpu.pipeline_mode<synchronous>, transform_indices = @transform_0, window_bounds = array<i64: 128, 4096>}, {pipeline_mode = #tpu.pipeline_mode<synchronous>, transform_indices = @transform_1, window_bounds = array<i64: 128, 4096>}, {pipeline_mode = #tpu.pipeline_mode<synchronous>, transform_indices = @transform_2, window_bounds = array<i64: 128, 1>}, {pipeline_mode = #tpu.pipeline_mode<synchronous>, transform_indices = @transform_3, window_bounds = array<i64: 128, 1>}, {pipeline_mode = #tpu.pipeline_mode<synchronous>, transform_indices = @transform_4, window_bounds = array<i64: 128, 1>}, {pipeline_mode = #tpu.pipeline_mode<synchronous>, transform_indices = @transform_5, window_bounds = array<i64: 128, 1>}, {pipeline_mode = #tpu.pipeline_mode<synchronous>, transform_indices = @transform_6, window_bounds = array<i64: 128, 4096>}, {pipeline_mode = #tpu.pipeline_mode<synchronous>, transform_indices = @transform_7, window_bounds = array<i64: 128, 4096>}]} {
    %get3A = arith.constant 0 : index
    %get3A_0 = arith.constant 0 : index
    %get3A_1 = vector.load %arg1[%get3A, %get3A_0] : memref<128x4096xf32, #tpu.memory_space<vmem>>, vector<128x4096xf32>
    %get3A_2 = arith.constant 0 : index
    %get3A_3 = arith.constant 0 : index
    %get3A_4 = vector.load %arg2[%get3A_2, %get3A_3] : memref<128x4096xf32, #tpu.memory_space<vmem>>, vector<128x4096xf32>
    %get3A_5 = arith.constant 0 : index
    %get3A_6 = arith.constant 0 : index
    %get3A_7 = vector.load %arg6[%get3A_5, %get3A_6] : memref<128x1xf32, #tpu.memory_space<vmem>>, vector<128x1xf32>
    %iota3A = tpu.iota {dimensions = array<i32: 1>} : vector<128x4096xi32>
    %get3A_8 = arith.constant 0 : index
    %get3A_9 = arith.constant 0 : index
    %get3A_10 = vector.load %arg4[%get3A_8, %get3A_9] : memref<128x1xi32, #tpu.memory_space<vmem>>, vector<128x1xi32>
    %eq3A = vector.broadcast %get3A_10 : vector<128x1xi32> to vector<128x4096xi32>
    %eq3A_11 = arith.cmpi eq, %iota3A, %eq3A : vector<128x4096xi32>
    %convert_element_type3A = arith.extui %eq3A_11 : vector<128x4096xi1> to vector<128x4096xi32>
    %convert_element_type3A_12 = arith.sitofp %convert_element_type3A : vector<128x4096xi32> to vector<128x4096xf32>
    %get3A_13 = arith.constant 0 : index
    %get3A_14 = arith.constant 0 : index
    %get3A_15 = vector.load %arg7[%get3A_13, %get3A_14] : memref<128x4096xf32, #tpu.memory_space<vmem>>, vector<128x4096xf32>
    %mul3A = arith.mulf %convert_element_type3A_12, %get3A_15 : vector<128x4096xf32>
    %reduce_sum3A = arith.constant dense<0.000000e+00> : vector<128xf32>
    %reduce_sum3A_16 = vector.multi_reduction <add>, %mul3A, %reduce_sum3A [1] : vector<128x4096xf32> to vector<128xf32>
    %broadcast_in_dim3A = vector.shape_cast %reduce_sum3A_16 : vector<128xf32> to vector<128x1xf32>
    %mul3A_17 = vector.broadcast %broadcast_in_dim3A : vector<128x1xf32> to vector<128x4096xf32>
    %mul3A_18 = arith.mulf %convert_element_type3A_12, %mul3A_17 : vector<128x4096xf32>
    %add3A = arith.addf %get3A_15, %mul3A_18 : vector<128x4096xf32>
    %mul3A_19 = vector.broadcast %get3A_7 : vector<128x1xf32> to vector<128x4096xf32>
    %mul3A_20 = arith.mulf %mul3A_19, %convert_element_type3A_12 : vector<128x4096xf32>
    %add3A_21 = arith.addf %get3A_1, %mul3A_20 : vector<128x4096xf32>
    %mul3A_22 = vector.broadcast %get3A_7 : vector<128x1xf32> to vector<128x4096xf32>
    %mul3A_23 = arith.mulf %mul3A_22, %add3A : vector<128x4096xf32>
    %add3A_24 = arith.addf %get3A_4, %mul3A_23 : vector<128x4096xf32>
    %mul3A_25 = arith.constant 2.000000e+00 : f32
    %mul3A_26 = vector.broadcast %mul3A_25 : f32 to vector<128x4096xf32>
    %mul3A_27 = arith.mulf %mul3A_26, %add3A_21 : vector<128x4096xf32>
    %sub3A = arith.constant 1.000000e+00 : f32
    %sub3A_28 = vector.broadcast %sub3A : f32 to vector<128x4096xf32>
    %sub3A_29 = arith.subf %sub3A_28, %mul3A_27 : vector<128x4096xf32>
    %div3A = arith.constant 2.000000e+00 : f32
    %div3A_30 = vector.broadcast %div3A : f32 to vector<128x4096xf32>
    %div3A_31 = arith.divf %sub3A_29, %div3A_30 : vector<128x4096xf32>
    %mul3A_32 = arith.mulf %add3A_24, %div3A_31 : vector<128x4096xf32>
    %reduce_max3A = arith.constant dense<0xFF800000> : vector<128xf32>
    %reduce_max3A_33 = vector.multi_reduction <maximumf>, %mul3A_32, %reduce_max3A [1] : vector<128x4096xf32> to vector<128xf32>
    %broadcast_in_dim3A_34 = vector.shape_cast %reduce_max3A_33 : vector<128xf32> to vector<128x1xf32>
    %sub3A_35 = vector.broadcast %broadcast_in_dim3A_34 : vector<128x1xf32> to vector<128x4096xf32>
    %sub3A_36 = arith.subf %mul3A_32, %sub3A_35 : vector<128x4096xf32>
    %exp3A = math.exp %sub3A_36 : vector<128x4096xf32>
    %reduce_sum3A_37 = arith.constant dense<0.000000e+00> : vector<128xf32>
    %reduce_sum3A_38 = vector.multi_reduction <add>, %exp3A, %reduce_sum3A_37 [1] : vector<128x4096xf32> to vector<128xf32>
    %broadcast_in_dim3A_39 = vector.shape_cast %reduce_sum3A_38 : vector<128xf32> to vector<128x1xf32>
    %log3A = math.log %broadcast_in_dim3A_39 : vector<128x1xf32>
    %add3A_40 = arith.addf %broadcast_in_dim3A_34, %log3A : vector<128x1xf32>
    %mul3A_41 = arith.mulf %convert_element_type3A_12, %mul3A_32 : vector<128x4096xf32>
    %reduce_sum3A_42 = arith.constant dense<0.000000e+00> : vector<128xf32>
    %reduce_sum3A_43 = vector.multi_reduction <add>, %mul3A_41, %reduce_sum3A_42 [1] : vector<128x4096xf32> to vector<128xf32>
    %broadcast_in_dim3A_44 = vector.shape_cast %reduce_sum3A_43 : vector<128xf32> to vector<128x1xf32>
    %sub3A_45 = arith.subf %broadcast_in_dim3A_44, %add3A_40 : vector<128x1xf32>
    %mul3A_46 = arith.mulf %convert_element_type3A_12, %get3A_4 : vector<128x4096xf32>
    %reduce_sum3A_47 = arith.constant dense<0.000000e+00> : vector<128xf32>
    %reduce_sum3A_48 = vector.multi_reduction <add>, %mul3A_46, %reduce_sum3A_47 [1] : vector<128x4096xf32> to vector<128xf32>
    %broadcast_in_dim3A_49 = vector.shape_cast %reduce_sum3A_48 : vector<128xf32> to vector<128x1xf32>
    %mul3A_50 = arith.mulf %get3A_7, %broadcast_in_dim3A_49 : vector<128x1xf32>
    %add3A_51 = arith.addf %mul3A_50, %broadcast_in_dim3A : vector<128x1xf32>
    %add3A_52 = arith.addf %add3A_51, %sub3A_45 : vector<128x1xf32>
    %get3A_53 = arith.constant 0 : index
    %get3A_54 = arith.constant 0 : index
    %get3A_55 = vector.load %arg5[%get3A_53, %get3A_54] : memref<128x1xf32, #tpu.memory_space<vmem>>, vector<128x1xf32>
    %sub3A_56 = arith.subf %add3A_52, %get3A_55 : vector<128x1xf32>
    %exp3A_57 = math.exp %sub3A_56 : vector<128x1xf32>
    %get3A_58 = arith.constant 0 : index
    %get3A_59 = arith.constant 0 : index
    %get3A_60 = vector.load %arg3[%get3A_58, %get3A_59] : memref<128x1xf32, #tpu.memory_space<vmem>>, vector<128x1xf32>
    %gt3A = arith.cmpf ogt, %exp3A_57, %get3A_60 : vector<128x1xf32>
    %convert_element_type3A_61 = arith.extui %gt3A : vector<128x1xi1> to vector<128x1xi32>
    %convert_element_type3A_62 = arith.sitofp %convert_element_type3A_61 : vector<128x1xi32> to vector<128x1xf32>
    %mul3A_63 = arith.mulf %convert_element_type3A_62, %get3A_7 : vector<128x1xf32>
    %mul3A_64 = vector.broadcast %mul3A_63 : vector<128x1xf32> to vector<128x4096xf32>
    %mul3A_65 = arith.mulf %mul3A_64, %convert_element_type3A_12 : vector<128x4096xf32>
    %add3A_66 = arith.addf %get3A_1, %mul3A_65 : vector<128x4096xf32>
    %swap3A = arith.constant 0 : index
    %swap3A_67 = arith.constant 0 : index
    %swap3A_68 = vector.load %arg8[%swap3A, %swap3A_67] : memref<128x4096xf32, #tpu.memory_space<vmem>>, vector<128x4096xf32>
    tpu.vector_store %arg8[%swap3A, %swap3A_67], %add3A_66 {strides = array<i32>} : memref<128x4096xf32, #tpu.memory_space<vmem>>, vector<128x4096xf32>,
    return
  }
  func.func @transform_0(%arg0: i32) -> (i32, i32) {
    %c0_i32 = arith.constant 0 : i32
    %c0_i32_0 = arith.constant 0 : i32
    %c0_i32_1 = arith.constant 0 : i32
    return %c0_i32, %c0_i32_0 : i32, i32
  }
  func.func @transform_1(%arg0: i32) -> (i32, i32) {
    %c0_i32 = arith.constant 0 : i32
    %c0_i32_0 = arith.constant 0 : i32
    %c0_i32_1 = arith.constant 0 : i32
    return %c0_i32, %c0_i32_0 : i32, i32
  }
  func.func @transform_2(%arg0: i32) -> (i32, i32) {
    %c0_i32 = arith.constant 0 : i32
    %c0_i32_0 = arith.constant 0 : i32
    %c0_i32_1 = arith.constant 0 : i32
    return %c0_i32, %c0_i32_0 : i32, i32
  }
  func.func @transform_3(%arg0: i32) -> (i32, i32) {
    %c0_i32 = arith.constant 0 : i32
    %c0_i32_0 = arith.constant 0 : i32
    %c0_i32_1 = arith.constant 0 : i32
    return %c0_i32, %c0_i32_0 : i32, i32
  }
  func.func @transform_4(%arg0: i32) -> (i32, i32) {
    %c0_i32 = arith.constant 0 : i32
    %c0_i32_0 = arith.constant 0 : i32
    %c0_i32_1 = arith.constant 0 : i32
    return %c0_i32, %c0_i32_0 : i32, i32
  }
  func.func @transform_5(%arg0: i32) -> (i32, i32) {
    %c0_i32 = arith.constant 0 : i32
    %c0_i32_0 = arith.constant 0 : i32
    %c0_i32_1 = arith.constant 0 : i32
    return %c0_i32, %c0_i32_0 : i32, i32
  }
  func.func @transform_6(%arg0: i32) -> (i32, i32) {
    %c0_i32 = arith.constant 0 : i32
    %c0_i32_0 = arith.constant 0 : i32
    %c0_i32_1 = arith.constant 0 : i32
    return %c0_i32, %c0_i32_0 : i32, i32
  }
  func.func @transform_7(%arg0: i32) -> (i32, i32) {
    %c0_i32 = arith.constant 0 : i32
    %c0_i32_0 = arith.constant 0 : i32
    %c0_i32_1 = arith.constant 0 : i32
    return %c0_i32, %c0_i32_0 : i32, i32
  }
}

</mosaic_0001>

<sc_bundles>
// kernel: kernel.5.cloned.1.call-start
scs
__scs_entry_jumppad:
0x0: {  	(pc) =	sbr.rel $0x88, $3  }
0x1: {  	(tag) =	ssettag $0x0;
	lr =	simm.s32 $0x1  }
0x2: {  	[smem:$0x3F9E] =	sst lr;
	_ =	strace $0xD0000000  }
0x3: {  	_ = 	snop  }
0x4: {  	_ = 	snop  }
0x5: {  	_ = 	snop  }
0x6: {  	_ = 	snop  }
0x7: {  	_ = 	snop  }
__scs_overlays_trampoline_lowered:
0x8: {  	[smem:$0x3FAD] =	sst s0  }
0x9: {  	[smem:$0x3FAE] =	sst s1  }
0xa: {  	[smem:$0x3FAF] =	sst s2  }
0xb: {  	[smem:$0x3FB0] =	sst s3  }
0xc: {  	[smem:$0x3FB1] =	sst s4  }
0xd: {  	[smem:$0x3FB2] =	sst s5  }
0xe: {  	[smem:$0x3FB3] =	sst s6  }
0xf: {  	[smem:$0x3FB4] =	sst s7  }
0x10: {  	[smem:$0x3FB5] =	sst s8  }
0x11: {  	[smem:$0x3FB6] =	sst s9;
	s0 =	simm.s32 @!p0 $0x0  }
0x12: {  	s1 =	sld [smem:$0x3F9C];
	s0 =	simm.s32 @p0 $0x1  }
0x13: {  	[smem:$0x3FB7] =	sst s0;
	s0 =	simm.s32 @!p1 $0x0  }
0x14: {  	s2 =	sld [smem:$0x3F9B];
	s0 =	simm.s32 @p1 $0x1  }
0x15: {  	[smem:$0x3FB8] =	sst s0;
	s0 =	simm.s32 @!p2 $0x0  }
0x16: {  	s3 =	sld [smem:$0x3FDB];
	s0 =	simm.s32 @p2 $0x1  }
0x17: {  	s4 =	simm.s32 $0x1BF5;
	[smem:$0x3FBA] =	sst s0  }
0x18: {  	s0 =	sld [smem:$0x3F9D];
	_ =	swait.ge [sflag:s4], $0x0  }
0x19: {  	s7 =	sld [smem:$0x3F9E]  }
0x1a: {  	s8 =	sadd.s32 $0xFFFFE003, lr  }
0x1b: {  	s9 =	sadd.s32 $0xFFFFFEF7, lr;
	s5 =	simm.s32 $0xFFFFFFFF;
	p2 =	slt.u32 s8, $0xFFFFF086  }
0x1c: {  	p1 =	slt.u32 s9, $0xF7A;
	s5 =	simm.s32 @!p2 $0x0  }
0x1d: {  	s5 =	simm.s32 @p1 $0x1;
	p0 =	seq.s32 s7, s2  }
0x1e: {  	s7 =	smul.u32 @!p0 $0xF7A, s2;
	p2 =	seq.s32 @!p0 s5, $0x0  }
0x1f: {  	s9 =	smul.u32 $0xF7A, s1;
	s8 =	simm.s32 @!p0 $0x1BF5;
	p2 =	por !p2, p0  }
0x20: {  	[sflag:s8] =	ssyncset.s32 @!p0 $0xFFFFF086;
	s6 =	sadd.s32 @!p0 s3, s7;
	s7 =	simm.s32 @!p0 $0x108  }
0x21: {  	s3 =	sadd.s32 s3, s9;
	s6 =	sadd.s32 @!p0 $0x88, s6;
	s7 =	simm.s32 @p2 $0x1082  }
0x22: {  	[simem:s7], [sflag:s8] =	dma.local @!p0 [hbm:s6], $0xF7A  }
0x23: {  	s9 =	sor.u32 $0xD0000000, s2;
	s6 =	simm.s32 $0x108;
	_ =	swait.ge @!p0 [sflag:s8], $0x0  }
0x24: {  	s3 =	sadd.s32 $0x88, s3;
	s6 =	simm.s32 @!p1 $0x1082;
	[sflag:s4] =	ssyncset.s32 $0xFFFFF086  }
0x25: {  	[simem:s6], [sflag:s4] =	dma.local [hbm:s3], $0xF7A  }
0x26: {  	[smem:$0x3F9E] =	sst s1;
	(tag) =	ssettag s2;
	_ =	strace s9  }
0x27: {  	s1 =	sld [smem:$0x3FAE]  }
0x28: {  	s2 =	sld [smem:$0x3FAF]  }
0x29: {  	s4 =	sld [smem:$0x3FB1]  }
0x2a: {  	p0 =	seq.s32 s5, $0x0;
	s5 =	sld [smem:$0x3FB2]  }
0x2b: {  	s6 =	sld [smem:$0x3FB3]  }
0x2c: {  	s7 =	sld [smem:$0x3FB4]  }
0x2d: {  	s3 =	simm.s32 $0x108;
	s8 =	sld [smem:$0x3FB5]  }
0x2e: {  	s3 =	simm.s32 @!p0 $0x1082;
	s9 =	sld [smem:$0x3FB6]  }
0x2f: {  	lr =	sadd.s32 s0, s3;
	s0 =	sld [smem:$0x3FAD]  }
0x30: {  	s3 =	sld [smem:$0x3FB0]  }
0x31: {  	[smem:$0x3FB9] =	sst s10  }
0x32: {  	s10 =	sld [smem:$0x3FB7];
	_ =	sdelay $0x3  }
0x33: {  	p0 =	seq.s32 s10, $0x1;
	s10 =	sld [smem:$0x3FB9];
	_ =	sdelay $0x3  }
0x34: {  	[smem:$0x3FB9] =	sst s10  }
0x35: {  	s10 =	sld [smem:$0x3FB8];
	_ =	sdelay $0x3  }
0x36: {  	p1 =	seq.s32 s10, $0x1;
	s10 =	sld [smem:$0x3FB9];
	_ =	sdelay $0x3  }
0x37: {  	[smem:$0x3FB9] =	sst s10  }
0x38: {  	s10 =	sld [smem:$0x3FBA]  }
0x39: {  	_ = 	snop;
	(pc) =	sbr.ind lr, $3  }
0x3a: {  	_ = 	snop  }
0x3b: {  	_ = 	snop  }
0x3c: {  	p2 =	seq.s32 s10, $0x1;
	s10 =	sld [smem:$0x3FB9]  }
0x3d: {  	_ =	shalt  }
0x3e: {  	_ =	shalt  }
0x3f: {  	_ =	shalt  }
0x40: {  	_ =	shalt  }
0x41: {  	_ =	shalt  }
0x42: {  	_ =	shalt  }
0x43: {  	_ =	shalt  }
0x44: {  	_ =	shalt  }
0x45: {  	_ =	shalt  }
0x46: {  	_ =	shalt  }
0x47: {  	_ =	shalt  }
0x48: {  	_ =	shalt  }
0x49: {  	_ =	shalt  }
0x4a: {  	_ =	shalt  }
0x4b: {  	_ =	shalt  }
0x4c: {  	_ =	shalt  }
0x4d: {  	_ =	shalt  }
0x4e: {  	_ =	shalt  }
0x4f: {  	_ =	shalt  }
0x50: {  	_ =	shalt  }
0x51: {  	_ =	shalt  }
0x52: {  	_ =	shalt  }
0x53: {  	_ =	shalt  }
0x54: {  	_ =	shalt  }
0x55: {  	_ =	shalt  }
0x56: {  	_ =	shalt  }
0x57: {  	_ =	shalt  }
0x58: {  	_ =	shalt  }
0x59: {  	_ =	shalt  }
0x5a: {  	_ =	shalt  }
0x5b: {  	_ =	shalt  }
0x5c: {  	_ =	shalt  }
0x5d: {  	_ =	shalt  }
0x5e: {  	_ =	shalt  }
0x5f: {  	_ =	shalt  }
0x60: {  	_ =	shalt  }
0x61: {  	_ =	shalt  }
0x62: {  	_ =	shalt  }
0x63: {  	_ =	shalt  }
0x64: {  	_ =	shalt  }
0x65: {  	_ =	shalt  }
0x66: {  	_ =	shalt  }
0x67: {  	_ =	shalt  }
0x68: {  	_ =	shalt  }
0x69: {  	_ =	shalt  }
0x6a: {  	_ =	shalt  }
0x6b: {  	_ =	shalt  }
0x6c: {  	_ =	shalt  }
0x6d: {  	_ =	shalt  }
0x6e: {  	_ =	shalt  }
0x6f: {  	_ =	shalt  }
0x70: {  	_ =	shalt  }
0x71: {  	_ =	shalt  }
0x72: {  	_ =	shalt  }
0x73: {  	_ =	shalt  }
0x74: {  	_ =	shalt  }
0x75: {  	_ =	shalt  }
0x76: {  	_ =	shalt  }
0x77: {  	_ =	shalt  }
0x78: {  	_ =	shalt  }
0x79: {  	_ =	shalt  }
0x7a: {  	_ =	shalt  }
0x7b: {  	_ =	shalt  }
0x7c: {  	_ =	shalt  }
0x7d: {  	_ =	shalt  }
0x7e: {  	_ =	shalt  }
0x7f: {  	_ =	shalt  }
0x80: {  	_ =	shalt  }
0x81: {  	_ =	shalt  }
0x82: {  	_ =	shalt  }
0x83: {  	_ =	shalt  }
0x84: {  	_ =	shalt  }
0x85: {  	_ =	shalt  }
0x86: {  	_ =	shalt  }
0x87: {  	_ =	shalt  }
.Lfunc_end0:
.L_simem_size_0:
called_computation_lowered:
.L_overlay_start_0:
0x88: {  	s2 =	sld [smem:$0x3FD9]  }
0x89: {  	s3 =	sld [smem:$0x3FFE];
	_ =	sdelay $0x1  }
0x8a: {  	s1 =	srdreg.scid  }
0x8b: {  	s0 =	sand.u32 $0x1, s1  }
0x8c: {  	s17 =	sshll.u32 s0, $0xA;
	s2 =	sadd.s32 s3, s2  }
0x8d: {  	s2 =	sadd.s32 s2, s17  }
0x8e: {  	[smem:$0x3FC5] =	sst s2  }
0x8f: {  	_ = 	snop  }
0x90: {  	s2 =	sld [smem:$0x3FC8]  }
0x91: {  	s18 =	sld [smem:$0x3FD0];
	(tm) =	ssettm $0x1  }
0x92: {  	s4 =	sld [smem:$0x3FFB];
	_ =	sdelay $0x3  }
0x93: {  	_ =	strace s4  }
0x94: {  	s4 =	sld [smem:$0x3FFC];
	_ =	sdelay $0x3  }
0x95: {  	_ =	strace s4  }
0x96: {  	s4 =	sld [smem:$0x3FFD];
	_ =	sdelay $0x3  }
0x97: {  	_ =	strace s4  }
0x98: {  	_ =	strace $0x8FFFFFFF  }
0x99: {  	s19 =	sld [smem:$0x3FDB];
	_ =	sdelay $0x1  }
0x9a: {  	s5 =	simm.s32 $_scs_section_size  }
0x9b: {  	s6 =	simm.s32 $_size__tile_overlayer_lowered;
	s7 =	simm.s32 $_tile_overlayer_lowered  }
0x9c: {  	s22 =	simm.s32 $0x1BFF;
	s21 =	sshll.u32 s7, $0x1;
	s4 =	sadd.s32 s5, s19  }
0x9d: {  	s8 =	simm.s32 $0x0;
	s20 =	sshll.u32 s6, $0x1;
	s6 =	sadd.s32 s21, s4  }
0x9e: {  	[timem:s8], [sflag:s22] =	dma.local [hbm:s6], s20  }
0x9f: {  	_ =	swait.ge [sflag:s22], s20  }
0xa0: {  	s5 =	ssub.s32 $0x0, s20;
	[sflag:s22] =	ssyncset.done $0x0  }
0xa1: {  	[sflag:s22] =	ssyncadd.s32 s5;
	_ =	sdelay $0x1  }
0xa2: {  	s23 =	simm.s32 $0x1B8B  }
0xa3: {  	_ =	swait.ge [sflag:s23], $0x1  }
0xa4: {  	[sflag:s23] =	ssyncset.done $0x0  }
0xa5: {  	s25 =	simm.s32 $0x1B8E;
	s24 =	sld [smem:$0x3FFE];
	[sflag:s23] =	ssyncadd.s32 $0xFFFFFFFF  }
0xa6: {  	s26 =	simm.s32 $execute0_lowered;
	[smem:$0x3FD2] =	sst s25  }
0xa7: {  	s6 =	sshll.u32 s26, $0x1;
	_ =	strace $0x80000046;
	[dreg:$0x1] =	wrdreg $0xFFFFFFFF  }
0xa8: {  	s28 =	simm.s32 $_size_execute0_lowered;
	s4 =	sadd.s32 s4, s6;
	[dreg:$0x0] =	wrdreg $0x0  }
0xa9: {  	s6 =	sshll.u32 s28, $0x1;
	[dreg:$0x2] =	wrdreg s4  }
0xaa: {  	[dreg:$0x3] =	wrdreg s6  }
0xab: {  	[dreg:$0x4] =	wrdreg $0xC0  }
0xac: {  	_ =	task [dreg:s8], $0x5FFFF  }
0xad: {  	[dreg:$0x1] =	wrdreg $0xFFFFFFFF  }
0xae: {  	[dreg:$0x0] =	wrdreg $0x60  }
0xaf: {  	[dreg:$0x2] =	wrdreg s2  }
0xb0: {  	[dreg:$0x3] =	wrdreg s24  }
0xb1: {  	[dreg:$0x4] =	wrdreg s18  }
0xb2: {  	[dreg:$0x5] =	wrdreg $0x9  }
0xb3: {  	_ =	task.clear_ibuf [dreg:s8], $0x6FFFF;
	_ =	strace $0x90000046  }
0xb4: {  	s29 =	simm.s32 $0x9;
	_ =	strace $0x80000048  }
0xb5: {  	_ =	swait.ge [sflag:s29], $0x1  }
0xb6: {  	[sflag:s29] =	ssyncadd.s32 $0xFFFFFFFF  }
0xb7: {  	_ =	strace $0x90000048  }
0xb8: {  	_ =	sfence  }
0xb9: {  	s30 =	sld [smem:$0x0];
	_ =	sdelay $0x2  }
0xba: {  	s31 =	sshll.u32 s1, $0xD;
	s1 =	sshrl.u32 s1, $0x2  }
0xbb: {  	s3 =	sand.u32 $0x4000, s31;
	s1 =	sadd.s32 s1, s30  }
0xbc: {  	s0 =	sor.u32 s3, s0;
	s1 =	sshll.u32 s1, $0x11  }
0xbd: {  	s0 =	sor.u32 s1, s0  }
0xbe: {  	s0 =	sadd.s32 $0x8F2B, s0  }
0xbf: {  	[sflag:s0] =	ssyncadd.remote.s32 $0x1  }
0xc0: {  	_ =	sfence.sel $0xFFFF  }
0xc1: {  	[dreg:$0x0] =	wrdreg $0xFFFFFFFF;
	(pc) =	sbr.abs _section_cstart, $3  }
0xc2: {  	[dreg:$0x1] =	wrdreg $0xFFFFFFFF  }
0xc3: {  	_ =	task.clear_ibuf [dreg:s8], $0x2FFFF;
	_ =	strace $0x9FFFFFFF  }
0xc4: {  	(tm) =	ssettm $0x7FFFFFFF  }
0xc5: {  	_ =	shalt  }
tec
execute0_lowered:
.L_overlay_start_1:
0x0: {  	(tag) =	ssettag $0x1  }
0x1: {  	s1 =	rddreg [dreg:$0x0];
	s2 =	srdreg.scid  }
0x2: {  	s4 =	rddreg [dreg:$0x1];
	s0 =	stileid.u32;
	s20 =	sand.u32 $0x1, s2  }
0x3: {  	s22 =	rddreg [dreg:$0x2];
	s5 =	sshll.u32 s0, $0x5;
	s6 =	sshll.u32 s20, $0x4  }
0x4: {  	s3 =	simm.s32 $0x0;
	s2 =	rddreg [dreg:$0x3];
	s5 =	sor.u32 s6, s5  }
0x5: {  	[smem:$0x7FF] =	sst s3;
	s4 =	sadd.s32 s5, s4  }
0x6: {  	_ =	strace $0x80000047;
	s5 =	sadd.s32 $0x1200, s4;
	s4 =	simm.s32 $0x2  }
0x7: {  	[tilespmem:s3], [sflag:$0x2] =	stream.linear.gather [hbm4b:s5+s3], $0x80, $0x38;
	[tilespmem:$0x4080] =	vst v63  }
0x8: {  	_ =	swait.ge [sflag:s4], $0x80  }
0x9: {  	[sflag:s4] =	ssyncset.done $0x0  }
0xa: {  	[sflag:s4] =	ssyncadd.s32 $0xFFFFFF80  }
0xb: {  	v0 =	vld.msk [tilespmem:$0x0], $0xf;
	_ =	sdelay $0x4  }
0xc: {  	v1 =	vshll.u32 v0, $0x5  }
0xd: {  	v2 =	vlaneseq.u32;
	v3 =	vand.u32 $0x7, v0;
	v1 =	vand.u32 $0xFFFFFF00, v1  }
0xe: {  	v0 =	vand.u32 $0x3, v2;
	v2 =	vshrl.u32 v2, $0x2;
	v3 =	vor.u32 v3, v1  }
0xf: {  	v1 =	vmul.u32 $0x8, v2;
	v2 =	vperm.xlane v3, v0;
	_ =	sdelay $0x1  }
0x10: {  	v2 =	vadd.s32 v1, v2;
	_ =	sdelay $0x3  }
0x11: {  	vm0 =	vmmov $0xffff;
	s6 =	simm.s32 $0x80  }
0x12: {  	[tilespmem:s6], [sflag:$0x1] =	stream.indirect_vreg.gather [hbm4b:s1+s3], $0x80, v2, vm0, $0xb8;
	[tilespmem:$0x4080] =	vst v63  }
0x13: {  	s8 =	simm.s32 $0x880;
	s10 =	simm.s32 $0x1080;
	s7 =	sadd.s32 $0x200, s1  }
0x14: {  	[tilespmem:s8], [sflag:$0x1] =	stream.indirect_vreg.gather [hbm4b:s7+s3], $0x80, v2, vm0, $0xb8;
	[tilespmem:$0x4080] =	vst v63  }
0x15: {  	s12 =	simm.s32 $0x1880;
	s14 =	simm.s32 $0x2080;
	s9 =	sadd.s32 $0x400, s1  }
0x16: {  	[tilespmem:s10], [sflag:$0x1] =	stream.indirect_vreg.gather [hbm4b:s9+s3], $0x80, v2, vm0, $0xb8;
	[tilespmem:$0x4080] =	vst v63  }
0x17: {  	s19 =	simm.s32 $0x3080;
	s11 =	sadd.s32 $0x600, s1;
	s15 =	ssub.s32 $0x2, s20  }
0x18: {  	[tilespmem:s12], [sflag:$0x1] =	stream.indirect_vreg.gather [hbm4b:s11+s3], $0x80, v2, vm0, $0xb8;
	[tilespmem:$0x4080] =	vst v63  }
0x19: {  	s21 =	simm.s32 $0x1;
	s13 =	sadd.s32 $0x800, s1;
	s16 =	sshrl.u32 s15, $0x1  }
0x1a: {  	[tilespmem:s14], [sflag:$0x1] =	stream.indirect_vreg.gather [hbm4b:s13+s3], $0x80, v2, vm0, $0xb8;
	[tilespmem:$0x4080] =	vst v63  }
0x1b: {  	s23 =	ssub.s32 s15, s16;
	s15 =	sadd.s32 $0xA00, s1;
	s16 =	simm.s32 $0x2880  }
0x1c: {  	[tilespmem:s16], [sflag:$0x1] =	stream.indirect_vreg.gather [hbm4b:s15+s3], $0x80, v2, vm0, $0xb8;
	[tilespmem:$0x4080] =	vst v63  }
0x1d: {  	s17 =	sadd.s32 $0xC00, s1;
	s18 =	sadd.s32 $0xE00, s1;
	s25 =	sshll.u32 s0, $0xC  }
0x1e: {  	[tilespmem:s19], [sflag:$0x1] =	stream.indirect_vreg.gather [hbm4b:s17+s3], $0x80, v2, vm0, $0xb8;
	[tilespmem:$0x4080] =	vst v63  }
0x1f: {  	s24 =	sshll.u32 s20, $0x6;
	s20 =	simm.s32 $0x3880;
	s31 =	smax.u32 s23, $0x1  }
0x20: {  	[tilespmem:s20], [sflag:$0x1] =	stream.indirect_vreg.gather [hbm4b:s18+s3], $0x80, v2, vm0, $0xb8;
	[tilespmem:$0x4080] =	vst v63  }
0x21: {  	s22 =	sadd.s32 s22, s24;
	p0 =	sne.s32 s31, $0x1;
	_ =	swait.ge [sflag:s21], $0x4000  }
.Ltmp0:
0x22: {  	s24 =	simm.s32 $0x400;
	[sflag:s21] =	ssyncset.done $0x0;
	(pc) =	sbr.rel @!p0 .LBB2_2-.Ltmp0, $4  }
0x23: {  	s22 =	sadd.s32 s25, s22;
	s23 =	simm.s32 $0x200;
	[sflag:s21] =	ssyncadd.s32 $0xFFFFC000  }
0x24: {  	[hbm4b:s22+s23] =	stream.strided.scatter [tilespmem:s6], [sflag:$0x2], $0x4000, s24, s23, $0x38;
	[tilespmem:$0x4080] =	vst v63  }
0x25: {  	_ =	swait.ge [sflag:s4], $0x4000  }
0x26: {  	s25 =	sadd.s32 $0xFFFFFFFF, s31;
	[sflag:s4] =	ssyncset.done $0x0  }
.LBB2_1:
0x27: {  	p0 =	sne.s32 s25, $0x1;
	s25 =	sadd.s32 $0xFFFFFFFF, s25;
	[sflag:s4] =	ssyncadd.s32 $0xFFFFC000  }
0x28: {  	[tilespmem:s3], [sflag:$0x2] =	stream.linear.gather [hbm4b:s5+s3], $0x80, $0x38;
	[tilespmem:$0x4080] =	vst v63  }
0x29: {  	_ =	swait.ge [sflag:s4], $0x80  }
0x2a: {  	[sflag:s4] =	ssyncset.done $0x0  }
0x2b: {  	[sflag:s4] =	ssyncadd.s32 $0xFFFFFF80  }
0x2c: {  	v2 =	vld.msk [tilespmem:$0x0], $0xf;
	_ =	sdelay $0x4  }
0x2d: {  	v3 =	vshll.u32 v2, $0x5  }
0x2e: {  	v2 =	vand.u32 $0x7, v2;
	v3 =	vand.u32 $0xFFFFFF00, v3  }
0x2f: {  	v2 =	vor.u32 v2, v3  }
0x30: {  	v2 =	vperm.xlane v2, v0;
	_ =	sdelay $0x1  }
0x31: {  	v2 =	vadd.s32 v1, v2;
	_ =	sdelay $0x4  }
0x32: {  	[tilespmem:s6], [sflag:$0x1] =	stream.indirect_vreg.gather [hbm4b:s1+s3], $0x80, v2, vm0, $0xb8;
	[tilespmem:$0x4080] =	vst v63  }
0x33: {  	_ = 	snop  }
0x34: {  	[tilespmem:s8], [sflag:$0x1] =	stream.indirect_vreg.gather [hbm4b:s7+s3], $0x80, v2, vm0, $0xb8;
	[tilespmem:$0x4080] =	vst v63  }
0x35: {  	_ = 	snop  }
0x36: {  	[tilespmem:s10], [sflag:$0x1] =	stream.indirect_vreg.gather [hbm4b:s9+s3], $0x80, v2, vm0, $0xb8;
	[tilespmem:$0x4080] =	vst v63  }
0x37: {  	_ = 	snop  }
0x38: {  	[tilespmem:s12], [sflag:$0x1] =	stream.indirect_vreg.gather [hbm4b:s11+s3], $0x80, v2, vm0, $0xb8;
	[tilespmem:$0x4080] =	vst v63  }
0x39: {  	_ = 	snop  }
0x3a: {  	[tilespmem:s14], [sflag:$0x1] =	stream.indirect_vreg.gather [hbm4b:s13+s3], $0x80, v2, vm0, $0xb8;
	[tilespmem:$0x4080] =	vst v63  }
0x3b: {  	_ = 	snop  }
0x3c: {  	[tilespmem:s16], [sflag:$0x1] =	stream.indirect_vreg.gather [hbm4b:s15+s3], $0x80, v2, vm0, $0xb8;
	[tilespmem:$0x4080] =	vst v63  }
0x3d: {  	_ = 	snop  }
0x3e: {  	[tilespmem:s19], [sflag:$0x1] =	stream.indirect_vreg.gather [hbm4b:s17+s3], $0x80, v2, vm0, $0xb8;
	[tilespmem:$0x4080] =	vst v63  }
0x3f: {  	_ = 	snop  }
0x40: {  	[tilespmem:s20], [sflag:$0x1] =	stream.indirect_vreg.gather [hbm4b:s18+s3], $0x80, v2, vm0, $0xb8;
	[tilespmem:$0x4080] =	vst v63  }
0x41: {  	_ =	swait.ge [sflag:s21], $0x4000  }
.Ltmp1:
0x42: {  	[sflag:s21] =	ssyncset.done $0x0;
	(pc) =	sbr.rel @p0 .LBB2_1-.Ltmp1, $4  }
0x43: {  	[sflag:s21] =	ssyncadd.s32 $0xFFFFC000  }
0x44: {  	[hbm4b:s22+s23] =	stream.strided.scatter [tilespmem:s6], [sflag:$0x2], $0x4000, s24, s23, $0x38;
	[tilespmem:$0x4080] =	vst v63  }
0x45: {  	_ =	swait.ge [sflag:s4], $0x4000  }
0x46: {  	[sflag:s4] =	ssyncset.done $0x0  }
.LBB2_2:
0x47: {  	[sflag:s4] =	ssyncadd.s32 $0xFFFFC000  }
0x48: {  	_ =	sfence.sel $0x180000  }
0x49: {  	[bflag:$0x0] =	sbarrier.arrive $0xFFFF  }
0x4a: {  	p0 =	sne.s32 s0, $0x0;
	_ =	strace $0x90000047  }
0x4b: {  	s0 =	sadd.s32 @!p0 $0x100000, s2;
	[bflag:$0x2] =	sbarrier.arrive $0xFFFF  }
0x4c: {  	[sflag:s0] =	ssyncadd.tile.s32 @!p0 $0x1;
	_ =	shalt  }
.Lfunc_end2:
_tile_overlayer_lowered:
.L_overlay_start_2:
0x4d: {  	(tag) =	ssettag $0x2  }
0x4e: {  	s0 =	rddreg [dreg:$0x0];
	s2 =	stileid.u32  }
0x4f: {  	s1 =	rddreg [dreg:$0x1];
	p0 =	sne.s32 s2, $0x0  }
0x50: {  	s3 =	rddreg [dreg:$0x2];
	[bflag:$0x3] =	sbarrier.arrive $0xFFFF;
	s2 =	simm.s32 @!p0 $0x1C02  }
0x51: {  	[timem:s3], [sflag:s2] =	dma.local @!p0 [hbm:s0], s1  }
0x52: {  	s0 =	simm.s32 @!p0 $0x2  }
0x53: {  	_ =	swait.ge @!p0 [sflag:s0], s1  }
0x54: {  	s1 =	ssub.s32 @!p0 $0x0, s1;
	[sflag:s0] =	ssyncset.done @!p0 $0x0  }
0x55: {  	[sflag:s0] =	ssyncadd.s32 @!p0 s1  }
0x56: {  	[bflag:$0x3] =	sbarrier.arrive $0xFFFF  }
0x57: {  	_ =	shalt  }

</sc_bundles>
